<compile_context>
chip_gen: v7x
topology: tpu7x:2x2x1
jax: 0.10.2.dev20260603
libtpu: 0.0.44.dev20260713+nightly
codegen_flags: <defaults>
</compile_context>

<pallas_src>
import jax
import jax.numpy as jnp
from jax import lax
from jax.experimental import pallas as pl
from jax.experimental.pallas import tpu as pltpu
from jax.experimental.pallas import tpu_sc as plsc

_GRID = 32
_NPATCH = _GRID * _GRID
_L = 16
_NSUB = 16
_OUT_PER_SUB = _NPATCH // _NSUB
_REGION_PTS = (128, 64, 128)


def _sc_body(lm_hbm, ew_hbm, nw_hbm, mw_hbm, out_hbm,
             lm_v, ew_v, nw_v, mw_v,
             m_e, m_n, m_m, out_v, sem_lm, sem_w):
    s = lax.axis_index("s")
    off = s * _OUT_PER_SUB

    cp_lm = pltpu.async_copy(lm_hbm, lm_v, sem_lm)
    cp_w = [
        pltpu.async_copy(ew_hbm.at[pl.ds(off, _OUT_PER_SUB)], ew_v, sem_w),
        pltpu.async_copy(nw_hbm.at[pl.ds(off, _OUT_PER_SUB)], nw_v, sem_w),
        pltpu.async_copy(mw_hbm.at[pl.ds(off, _OUT_PER_SUB)], mw_v, sem_w),
    ]

    zeros_f = jnp.zeros((_L,), jnp.float32)

    def zero_body(j, _):
        sl = pl.ds(off + j * _L, _L)
        m_e[sl] = zeros_f
        m_n[sl] = zeros_f
        m_m[sl] = zeros_f
        return 0

    lax.fori_loop(0, _OUT_PER_SUB // _L, zero_body, 0, unroll=False)

    lane2 = lax.iota(jnp.int32, _L) * 2
    one_i = jnp.ones((_L,), jnp.int32)
    one_f = jnp.ones((_L,), jnp.float32)
    cap = jnp.full((_L,), _GRID - 1, jnp.int32)

    cp_lm.wait()

    def make_scatter_body(mask, base):
        def scatter_body(i, _):
            xi = base + i * (2 * _L) + lane2
            xs = plsc.load_gather(lm_v, [xi])
            ys = plsc.load_gather(lm_v, [xi + one_i])
            r = jnp.minimum(ys >> 4, cap)
            c = jnp.minimum(xs >> 4, cap)
            bins = (r << 5) | c
            plsc.store_scatter(mask, [bins], one_f)
            return 0
        return scatter_body

    base = 0
    for n_pts, mask in zip(_REGION_PTS, (m_e, m_n, m_m)):
        lax.fori_loop(0, n_pts // _L, make_scatter_body(mask, base), 0,
                      unroll=False)
        base += 2 * n_pts

    for cp in cp_w:
        cp.wait()

    def combine_body(j, _):
        sl = pl.ds(off + j * _L, _L)
        wl = pl.ds(j * _L, _L)
        acc = (ew_v[wl] - one_f) * m_e[sl] + one_f
        acc = acc + (nw_v[wl] - one_f) * m_n[sl]
        out_v[wl] = acc + (mw_v[wl] - one_f) * m_m[sl]
        return 0

    lax.fori_loop(0, _OUT_PER_SUB // _L, combine_body, 0, unroll=False)

    pltpu.sync_copy(out_v, out_hbm.at[pl.ds(off, _OUT_PER_SUB)])


def kernel(eye_landmarks, nose_landmarks, mouth_landmarks,
           eye_weight, nose_weight, mouth_weight):
    lm = jnp.concatenate([eye_landmarks.astype(jnp.int32).reshape(-1),
                          nose_landmarks.astype(jnp.int32).reshape(-1),
                          mouth_landmarks.astype(jnp.int32).reshape(-1)])

    mesh = plsc.VectorSubcoreMesh(core_axis_name="c", subcore_axis_name="s",
                                  num_cores=1)
    run = pl.kernel(
        _sc_body,
        out_type=jax.ShapeDtypeStruct((_NPATCH,), jnp.float32),
        mesh=mesh,
        compiler_params=pltpu.CompilerParams(needs_layout_passes=False),
        scratch_types=[
            pltpu.VMEM((2 * sum(_REGION_PTS),), jnp.int32),
            pltpu.VMEM((_OUT_PER_SUB,), jnp.float32),
            pltpu.VMEM((_OUT_PER_SUB,), jnp.float32),
            pltpu.VMEM((_OUT_PER_SUB,), jnp.float32),
            pltpu.VMEM((_NPATCH,), jnp.float32),
            pltpu.VMEM((_NPATCH,), jnp.float32),
            pltpu.VMEM((_NPATCH,), jnp.float32),
            pltpu.VMEM((_OUT_PER_SUB,), jnp.float32),
            pltpu.SemaphoreType.DMA,
            pltpu.SemaphoreType.DMA,
        ],
    )
    return run(lm, eye_weight, nose_weight, mouth_weight)

# --- scband reference (transcript-rebuilt; emitter-appended) ---
"""Pipeline reference for scband-region-attention-44435731644831 (READ-ONLY COPY).

The authoritative reference and input builder live on the scoring server;
editing this copy changes nothing except your own understanding.
"""

import jax, jax.numpy as jnp
import numpy as np

GRID_ROWS = 32
GRID_COLS = 32
PATCH_H = 512.0 / GRID_ROWS
PATCH_W = 512.0 / GRID_COLS
N_PATCHES = GRID_ROWS * GRID_COLS
DEFAULT_WEIGHT = 1.0
ENHANCED_WEIGHT = 1.2


def setup_inputs(seed: int = 0) -> dict:
    key = jax.random.key(seed)
    k1, k2, k3 = jax.random.split(key, 3)
    eye_landmarks = jax.random.randint(k1, (128, 2), 0, 512, dtype=jnp.int64) if jax.config.jax_enable_x64 else jax.random.randint(k1, (128, 2), 0, 512, dtype=jnp.int32)
    nose_landmarks = jax.random.randint(k2, (64, 2), 0, 512, dtype=eye_landmarks.dtype)
    mouth_landmarks = jax.random.randint(k3, (128, 2), 0, 512, dtype=eye_landmarks.dtype)
    eye_weight = jnp.full((N_PATCHES,), ENHANCED_WEIGHT, dtype=jnp.float32)
    nose_weight = jnp.full((N_PATCHES,), ENHANCED_WEIGHT, dtype=jnp.float32)
    mouth_weight = jnp.full((N_PATCHES,), ENHANCED_WEIGHT, dtype=jnp.float32)
    return {
        "eye_landmarks": eye_landmarks,
        "nose_landmarks": nose_landmarks,
        "mouth_landmarks": mouth_landmarks,
        "eye_weight": eye_weight,
        "nose_weight": nose_weight,
        "mouth_weight": mouth_weight,
    }


def _region_mask_flat(landmarks):
    x = landmarks[:, 0].astype(jnp.float32)
    y = landmarks[:, 1].astype(jnp.float32)
    r = jnp.minimum(jnp.floor(y / PATCH_H).astype(jnp.int32), GRID_ROWS - 1)
    c = jnp.minimum(jnp.floor(x / PATCH_W).astype(jnp.int32), GRID_COLS - 1)
    mask = jnp.zeros((GRID_ROWS, GRID_COLS), dtype=jnp.float32).at[r, c].set(1.0)
    return mask.reshape(-1)


def reference(eye_landmarks, nose_landmarks, mouth_landmarks, eye_weight, nose_weight, mouth_weight):
    flat_eye = _region_mask_flat(eye_landmarks)
    flat_nose = _region_mask_flat(nose_landmarks)
    flat_mouth = _region_mask_flat(mouth_landmarks)
    w_eye = (eye_weight - DEFAULT_WEIGHT) * flat_eye
    w_nose = (nose_weight - DEFAULT_WEIGHT) * flat_nose
    w_mouth = (mouth_weight - DEFAULT_WEIGHT) * flat_mouth
    weight_map = DEFAULT_WEIGHT + w_eye + w_nose + w_mouth
    return weight_map

if __name__ == "__main__":
    import jax
    _d = setup_inputs()
    print(jax.jit(kernel)(*tuple(_d.values())))

</pallas_src>

<mosaic_0001>
#map = affine_map<(d0, d1) -> (0)>
module attributes {stable_mosaic.version = 14 : i64} {
  func.func @_sc_body(%arg0: i32, %arg1: i32, %arg2: memref<640xi32, #tpu.memory_space<hbm>>, %arg3: memref<1024xf32, #tpu.memory_space<hbm>>, %arg4: memref<1024xf32, #tpu.memory_space<hbm>>, %arg5: memref<1024xf32, #tpu.memory_space<hbm>>, %arg6: memref<1024xf32, #tpu.memory_space<hbm>>, %arg7: memref<640xi32, #tpu.memory_space<vmem>>, %arg8: memref<64xf32, #tpu.memory_space<vmem>>, %arg9: memref<64xf32, #tpu.memory_space<vmem>>, %arg10: memref<64xf32, #tpu.memory_space<vmem>>, %arg11: memref<1024xf32, #tpu.memory_space<vmem>>, %arg12: memref<1024xf32, #tpu.memory_space<vmem>>, %arg13: memref<1024xf32, #tpu.memory_space<vmem>>, %arg14: memref<64xf32, #tpu.memory_space<vmem>>, %arg15: memref<!tpu.dma_semaphore, #tpu.memory_space<semaphore_mem>>, %arg16: memref<!tpu.dma_semaphore, #tpu.memory_space<semaphore_mem>>) attributes {dimension_semantics = [#tpu.dimension_semantics<core_parallel>, #tpu.dimension_semantics<subcore_parallel>], iteration_bounds = array<i64: 1, 16>, scalar_prefetch = 0 : i64, scratch_operands = 10 : i64, tpu.core_type = #tpu.core_type<sc_vector_subcore>, window_params = [{transform_indices = #map}, {transform_indices = #map}, {transform_indices = #map}, {transform_indices = #map}, {transform_indices = #map}]} {
    %mul3A = arith.constant 64 : i32
    %mul3A_0 = arith.muli %arg1, %mul3A : i32
    tpu.enqueue_dma source(%arg2 : memref<640xi32, #tpu.memory_space<hbm>>) target(%arg7 : memref<640xi32, #tpu.memory_space<vmem>>) target_semaphore(%arg15 : memref<!tpu.dma_semaphore, #tpu.memory_space<semaphore_mem>>)
    %dma_start3A = tpu.memref_slice %arg3[%mul3A_0] : memref<1024xf32, #tpu.memory_space<hbm>> -> memref<64xf32, #tpu.memory_space<hbm>>
    %dma_start3A_1 = tpu.memref_slice %arg3[%mul3A_0] : memref<1024xf32, #tpu.memory_space<hbm>> -> memref<64xf32, #tpu.memory_space<hbm>>
    tpu.enqueue_dma source(%dma_start3A_1 : memref<64xf32, #tpu.memory_space<hbm>>) target(%arg8 : memref<64xf32, #tpu.memory_space<vmem>>) target_semaphore(%arg16 : memref<!tpu.dma_semaphore, #tpu.memory_space<semaphore_mem>>)
    %dma_start3A_2 = tpu.memref_slice %arg4[%mul3A_0] : memref<1024xf32, #tpu.memory_space<hbm>> -> memref<64xf32, #tpu.memory_space<hbm>>
    %dma_start3A_3 = tpu.memref_slice %arg4[%mul3A_0] : memref<1024xf32, #tpu.memory_space<hbm>> -> memref<64xf32, #tpu.memory_space<hbm>>
    tpu.enqueue_dma source(%dma_start3A_3 : memref<64xf32, #tpu.memory_space<hbm>>) target(%arg9 : memref<64xf32, #tpu.memory_space<vmem>>) target_semaphore(%arg16 : memref<!tpu.dma_semaphore, #tpu.memory_space<semaphore_mem>>)
    %dma_start3A_4 = tpu.memref_slice %arg5[%mul3A_0] : memref<1024xf32, #tpu.memory_space<hbm>> -> memref<64xf32, #tpu.memory_space<hbm>>
    %dma_start3A_5 = tpu.memref_slice %arg5[%mul3A_0] : memref<1024xf32, #tpu.memory_space<hbm>> -> memref<64xf32, #tpu.memory_space<hbm>>
    tpu.enqueue_dma source(%dma_start3A_5 : memref<64xf32, #tpu.memory_space<hbm>>) target(%arg10 : memref<64xf32, #tpu.memory_space<vmem>>) target_semaphore(%arg16 : memref<!tpu.dma_semaphore, #tpu.memory_space<semaphore_mem>>)
    %broadcast_in_dim3A = arith.constant 0.000000e+00 : f32
    %broadcast_in_dim3A_6 = vector.broadcast %broadcast_in_dim3A : f32 to vector<16xf32>
    %scan3A = arith.constant 0 : i32
    %scan3A_7 = arith.constant 0 : i32
    %scan3A_8 = arith.constant 4 : i32
    %scan3A_9 = arith.addi %scan3A_7, %scan3A_8 : i32
    %scan3A_10 = arith.constant 1 : i32
    %scan3A_11 = scf.for %scan3A_55 = %scan3A_7 to %scan3A_9 step %scan3A_10 iter_args(%scan3A_56 = %scan3A) -> (i32)  : i32 {
      %mul3A_57 = arith.constant 16 : i32
      %mul3A_58 = arith.muli %scan3A_55, %mul3A_57 : i32
      %add3A = arith.addi %mul3A_0, %mul3A_58 : i32
      %swap3A = arith.index_cast %add3A : i32 to index
      %swap3A_59 = tpu.vector_load %arg11[%swap3A] {strides = array<i32>} : memref<1024xf32, #tpu.memory_space<vmem>>, vector<16xf32>,
      tpu.vector_store %arg11[%swap3A], %broadcast_in_dim3A_6 {strides = array<i32>} : memref<1024xf32, #tpu.memory_space<vmem>>, vector<16xf32>,
      %swap3A_60 = arith.index_cast %add3A : i32 to index
      %swap3A_61 = tpu.vector_load %arg12[%swap3A_60] {strides = array<i32>} : memref<1024xf32, #tpu.memory_space<vmem>>, vector<16xf32>,
      tpu.vector_store %arg12[%swap3A_60], %broadcast_in_dim3A_6 {strides = array<i32>} : memref<1024xf32, #tpu.memory_space<vmem>>, vector<16xf32>,
      %swap3A_62 = arith.index_cast %add3A : i32 to index
      %swap3A_63 = tpu.vector_load %arg13[%swap3A_62] {strides = array<i32>} : memref<1024xf32, #tpu.memory_space<vmem>>, vector<16xf32>,
      tpu.vector_store %arg13[%swap3A_62], %broadcast_in_dim3A_6 {strides = array<i32>} : memref<1024xf32, #tpu.memory_space<vmem>>, vector<16xf32>,
      %scan3A_64 = arith.constant 0 : i32
      scf.yield %scan3A_64 : i32
    }
    %scan3A_12 = arith.constant 4 : i32
    %iota3A = tpu.iota {dimensions = array<i32: 0>} : vector<16xi32>
    %mul3A_13 = arith.constant 2 : i32
    %mul3A_14 = vector.broadcast %mul3A_13 : i32 to vector<16xi32>
    %mul3A_15 = arith.muli %iota3A, %mul3A_14 : vector<16xi32>
    %broadcast_in_dim3A_16 = arith.constant 1 : i32
    %broadcast_in_dim3A_17 = vector.broadcast %broadcast_in_dim3A_16 : i32 to vector<16xi32>
    %broadcast_in_dim3A_18 = arith.constant 1.000000e+00 : f32
    %broadcast_in_dim3A_19 = vector.broadcast %broadcast_in_dim3A_18 : f32 to vector<16xf32>
    %broadcast_in_dim3A_20 = arith.constant 31 : i32
    %broadcast_in_dim3A_21 = vector.broadcast %broadcast_in_dim3A_20 : i32 to vector<16xi32>
    tpu.wait_dma2 semaphore(%arg15 : memref<!tpu.dma_semaphore, #tpu.memory_space<semaphore_mem>>) src(%arg2 : memref<640xi32, #tpu.memory_space<hbm>>) dst(%arg7 : memref<640xi32, #tpu.memory_space<vmem>>)
    %scan3A_22 = arith.constant 0 : i32
    %scan3A_23 = arith.constant 0 : i32
    %scan3A_24 = arith.constant 8 : i32
    %scan3A_25 = arith.addi %scan3A_23, %scan3A_24 : i32
    %scan3A_26 = arith.constant 1 : i32
    %scan3A_27 = scf.for %scan3A_55 = %scan3A_23 to %scan3A_25 step %scan3A_26 iter_args(%scan3A_56 = %scan3A_22) -> (i32)  : i32 {
      %mul3A_57 = arith.constant 32 : i32
      %mul3A_58 = arith.muli %scan3A_55, %mul3A_57 : i32
      %add3A = arith.constant 0 : i32
      %add3A_59 = arith.addi %add3A, %mul3A_58 : i32
      %add3A_60 = vector.broadcast %add3A_59 : i32 to vector<16xi32>
      %add3A_61 = arith.addi %add3A_60, %mul3A_15 : vector<16xi32>
      %gather3A = tpu.vector_load_idx %arg7[%add3A_61] : memref<640xi32, #tpu.memory_space<vmem>>[vector<16xi32>], vector<16xi32>,
      %add3A_62 = arith.addi %add3A_61, %broadcast_in_dim3A_17 : vector<16xi32>
      %gather3A_63 = tpu.vector_load_idx %arg7[%add3A_62] : memref<640xi32, #tpu.memory_space<vmem>>[vector<16xi32>], vector<16xi32>,
      %shift_right_arithmetic3A = arith.constant 4 : i32
      %shift_right_arithmetic3A_64 = vector.broadcast %shift_right_arithmetic3A : i32 to vector<16xi32>
      %shift_right_arithmetic3A_65 = arith.shrsi %gather3A_63, %shift_right_arithmetic3A_64 : vector<16xi32>
      %min3A = arith.minsi %shift_right_arithmetic3A_65, %broadcast_in_dim3A_21 : vector<16xi32>
      %shift_right_arithmetic3A_66 = arith.constant 4 : i32
      %shift_right_arithmetic3A_67 = vector.broadcast %shift_right_arithmetic3A_66 : i32 to vector<16xi32>
      %shift_right_arithmetic3A_68 = arith.shrsi %gather3A, %shift_right_arithmetic3A_67 : vector<16xi32>
      %min3A_69 = arith.minsi %shift_right_arithmetic3A_68, %broadcast_in_dim3A_21 : vector<16xi32>
      %shift_left3A = arith.constant 5 : i32
      %shift_left3A_70 = vector.broadcast %shift_left3A : i32 to vector<16xi32>
      %shift_left3A_71 = arith.shli %min3A, %shift_left3A_70 : vector<16xi32>
      %or3A = arith.ori %shift_left3A_71, %min3A_69 : vector<16xi32>
      tpu.vector_store_idx %arg11[%or3A], %broadcast_in_dim3A_19 : memref<1024xf32, #tpu.memory_space<vmem>>[vector<16xi32>], vector<16xf32>,
      %scan3A_72 = arith.constant 0 : i32
      scf.yield %scan3A_72 : i32
    }
    %scan3A_28 = arith.constant 8 : i32
    %scan3A_29 = arith.constant 0 : i32
    %scan3A_30 = arith.constant 0 : i32
    %scan3A_31 = arith.constant 4 : i32
    %scan3A_32 = arith.addi %scan3A_30, %scan3A_31 : i32
    %scan3A_33 = arith.constant 1 : i32
    %scan3A_34 = scf.for %scan3A_55 = %scan3A_30 to %scan3A_32 step %scan3A_33 iter_args(%scan3A_56 = %scan3A_29) -> (i32)  : i32 {
      %mul3A_57 = arith.constant 32 : i32
      %mul3A_58 = arith.muli %scan3A_55, %mul3A_57 : i32
      %add3A = arith.constant 256 : i32
      %add3A_59 = arith.addi %add3A, %mul3A_58 : i32
      %add3A_60 = vector.broadcast %add3A_59 : i32 to vector<16xi32>
      %add3A_61 = arith.addi %add3A_60, %mul3A_15 : vector<16xi32>
      %gather3A = tpu.vector_load_idx %arg7[%add3A_61] : memref<640xi32, #tpu.memory_space<vmem>>[vector<16xi32>], vector<16xi32>,
      %add3A_62 = arith.addi %add3A_61, %broadcast_in_dim3A_17 : vector<16xi32>
      %gather3A_63 = tpu.vector_load_idx %arg7[%add3A_62] : memref<640xi32, #tpu.memory_space<vmem>>[vector<16xi32>], vector<16xi32>,
      %shift_right_arithmetic3A = arith.constant 4 : i32
      %shift_right_arithmetic3A_64 = vector.broadcast %shift_right_arithmetic3A : i32 to vector<16xi32>
      %shift_right_arithmetic3A_65 = arith.shrsi %gather3A_63, %shift_right_arithmetic3A_64 : vector<16xi32>
      %min3A = arith.minsi %shift_right_arithmetic3A_65, %broadcast_in_dim3A_21 : vector<16xi32>
      %shift_right_arithmetic3A_66 = arith.constant 4 : i32
      %shift_right_arithmetic3A_67 = vector.broadcast %shift_right_arithmetic3A_66 : i32 to vector<16xi32>
      %shift_right_arithmetic3A_68 = arith.shrsi %gather3A, %shift_right_arithmetic3A_67 : vector<16xi32>
      %min3A_69 = arith.minsi %shift_right_arithmetic3A_68, %broadcast_in_dim3A_21 : vector<16xi32>
      %shift_left3A = arith.constant 5 : i32
      %shift_left3A_70 = vector.broadcast %shift_left3A : i32 to vector<16xi32>
      %shift_left3A_71 = arith.shli %min3A, %shift_left3A_70 : vector<16xi32>
      %or3A = arith.ori %shift_left3A_71, %min3A_69 : vector<16xi32>
      tpu.vector_store_idx %arg12[%or3A], %broadcast_in_dim3A_19 : memref<1024xf32, #tpu.memory_space<vmem>>[vector<16xi32>], vector<16xf32>,
      %scan3A_72 = arith.constant 0 : i32
      scf.yield %scan3A_72 : i32
    }
    %scan3A_35 = arith.constant 4 : i32
    %scan3A_36 = arith.constant 0 : i32
    %scan3A_37 = arith.constant 0 : i32
    %scan3A_38 = arith.constant 8 : i32
    %scan3A_39 = arith.addi %scan3A_37, %scan3A_38 : i32
    %scan3A_40 = arith.constant 1 : i32
    %scan3A_41 = scf.for %scan3A_55 = %scan3A_37 to %scan3A_39 step %scan3A_40 iter_args(%scan3A_56 = %scan3A_36) -> (i32)  : i32 {
      %mul3A_57 = arith.constant 32 : i32
      %mul3A_58 = arith.muli %scan3A_55, %mul3A_57 : i32
      %add3A = arith.constant 384 : i32
      %add3A_59 = arith.addi %add3A, %mul3A_58 : i32
      %add3A_60 = vector.broadcast %add3A_59 : i32 to vector<16xi32>
      %add3A_61 = arith.addi %add3A_60, %mul3A_15 : vector<16xi32>
      %gather3A = tpu.vector_load_idx %arg7[%add3A_61] : memref<640xi32, #tpu.memory_space<vmem>>[vector<16xi32>], vector<16xi32>,
      %add3A_62 = arith.addi %add3A_61, %broadcast_in_dim3A_17 : vector<16xi32>
      %gather3A_63 = tpu.vector_load_idx %arg7[%add3A_62] : memref<640xi32, #tpu.memory_space<vmem>>[vector<16xi32>], vector<16xi32>,
      %shift_right_arithmetic3A = arith.constant 4 : i32
      %shift_right_arithmetic3A_64 = vector.broadcast %shift_right_arithmetic3A : i32 to vector<16xi32>
      %shift_right_arithmetic3A_65 = arith.shrsi %gather3A_63, %shift_right_arithmetic3A_64 : vector<16xi32>
      %min3A = arith.minsi %shift_right_arithmetic3A_65, %broadcast_in_dim3A_21 : vector<16xi32>
      %shift_right_arithmetic3A_66 = arith.constant 4 : i32
      %shift_right_arithmetic3A_67 = vector.broadcast %shift_right_arithmetic3A_66 : i32 to vector<16xi32>
      %shift_right_arithmetic3A_68 = arith.shrsi %gather3A, %shift_right_arithmetic3A_67 : vector<16xi32>
      %min3A_69 = arith.minsi %shift_right_arithmetic3A_68, %broadcast_in_dim3A_21 : vector<16xi32>
      %shift_left3A = arith.constant 5 : i32
      %shift_left3A_70 = vector.broadcast %shift_left3A : i32 to vector<16xi32>
      %shift_left3A_71 = arith.shli %min3A, %shift_left3A_70 : vector<16xi32>
      %or3A = arith.ori %shift_left3A_71, %min3A_69 : vector<16xi32>
      tpu.vector_store_idx %arg13[%or3A], %broadcast_in_dim3A_19 : memref<1024xf32, #tpu.memory_space<vmem>>[vector<16xi32>], vector<16xf32>,
      %scan3A_72 = arith.constant 0 : i32
      scf.yield %scan3A_72 : i32
    }
    %scan3A_42 = arith.constant 8 : i32
    %dma_wait3A = tpu.memref_slice %arg3[%mul3A_0] : memref<1024xf32, #tpu.memory_space<hbm>> -> memref<64xf32, #tpu.memory_space<hbm>>
    %dma_wait3A_43 = tpu.memref_slice %arg3[%mul3A_0] : memref<1024xf32, #tpu.memory_space<hbm>> -> memref<64xf32, #tpu.memory_space<hbm>>
    tpu.wait_dma2 semaphore(%arg16 : memref<!tpu.dma_semaphore, #tpu.memory_space<semaphore_mem>>) src(%dma_wait3A_43 : memref<64xf32, #tpu.memory_space<hbm>>) dst(%arg8 : memref<64xf32, #tpu.memory_space<vmem>>)
    %dma_wait3A_44 = tpu.memref_slice %arg4[%mul3A_0] : memref<1024xf32, #tpu.memory_space<hbm>> -> memref<64xf32, #tpu.memory_space<hbm>>
    %dma_wait3A_45 = tpu.memref_slice %arg4[%mul3A_0] : memref<1024xf32, #tpu.memory_space<hbm>> -> memref<64xf32, #tpu.memory_space<hbm>>
    tpu.wait_dma2 semaphore(%arg16 : memref<!tpu.dma_semaphore, #tpu.memory_space<semaphore_mem>>) src(%dma_wait3A_45 : memref<64xf32, #tpu.memory_space<hbm>>) dst(%arg9 : memref<64xf32, #tpu.memory_space<vmem>>)
    %dma_wait3A_46 = tpu.memref_slice %arg5[%mul3A_0] : memref<1024xf32, #tpu.memory_space<hbm>> -> memref<64xf32, #tpu.memory_space<hbm>>
    %dma_wait3A_47 = tpu.memref_slice %arg5[%mul3A_0] : memref<1024xf32, #tpu.memory_space<hbm>> -> memref<64xf32, #tpu.memory_space<hbm>>
    tpu.wait_dma2 semaphore(%arg16 : memref<!tpu.dma_semaphore, #tpu.memory_space<semaphore_mem>>) src(%dma_wait3A_47 : memref<64xf32, #tpu.memory_space<hbm>>) dst(%arg10 : memref<64xf32, #tpu.memory_space<vmem>>)
    %scan3A_48 = arith.constant 0 : i32
    %scan3A_49 = arith.constant 0 : i32
    %scan3A_50 = arith.constant 4 : i32
    %scan3A_51 = arith.addi %scan3A_49, %scan3A_50 : i32
    %scan3A_52 = arith.constant 1 : i32
    %scan3A_53 = scf.for %scan3A_55 = %scan3A_49 to %scan3A_51 step %scan3A_52 iter_args(%scan3A_56 = %scan3A_48) -> (i32)  : i32 {
      %mul3A_57 = arith.constant 16 : i32
      %mul3A_58 = arith.muli %scan3A_55, %mul3A_57 : i32
      %add3A = arith.addi %mul3A_0, %mul3A_58 : i32
      %mul3A_59 = arith.constant 16 : i32
      %mul3A_60 = arith.muli %scan3A_55, %mul3A_59 : i32
      %get3A = arith.index_cast %mul3A_60 : i32 to index
      %get3A_61 = tpu.vector_load %arg8[%get3A] {strides = array<i32>} : memref<64xf32, #tpu.memory_space<vmem>>, vector<16xf32>,
      %sub3A = arith.subf %get3A_61, %broadcast_in_dim3A_19 : vector<16xf32>
      %get3A_62 = arith.index_cast %add3A : i32 to index
      %get3A_63 = tpu.vector_load %arg11[%get3A_62] {strides = array<i32>} : memref<1024xf32, #tpu.memory_space<vmem>>, vector<16xf32>,
      %mul3A_64 = arith.mulf %sub3A, %get3A_63 : vector<16xf32>
      %add3A_65 = arith.addf %mul3A_64, %broadcast_in_dim3A_19 : vector<16xf32>
      %get3A_66 = arith.index_cast %mul3A_60 : i32 to index
      %get3A_67 = tpu.vector_load %arg9[%get3A_66] {strides = array<i32>} : memref<64xf32, #tpu.memory_space<vmem>>, vector<16xf32>,
      %sub3A_68 = arith.subf %get3A_67, %broadcast_in_dim3A_19 : vector<16xf32>
      %get3A_69 = arith.index_cast %add3A : i32 to index
      %get3A_70 = tpu.vector_load %arg12[%get3A_69] {strides = array<i32>} : memref<1024xf32, #tpu.memory_space<vmem>>, vector<16xf32>,
      %mul3A_71 = arith.mulf %sub3A_68, %get3A_70 : vector<16xf32>
      %add3A_72 = arith.addf %add3A_65, %mul3A_71 : vector<16xf32>
      %get3A_73 = arith.index_cast %mul3A_60 : i32 to index
      %get3A_74 = tpu.vector_load %arg10[%get3A_73] {strides = array<i32>} : memref<64xf32, #tpu.memory_space<vmem>>, vector<16xf32>,
      %sub3A_75 = arith.subf %get3A_74, %broadcast_in_dim3A_19 : vector<16xf32>
      %get3A_76 = arith.index_cast %add3A : i32 to index
      %get3A_77 = tpu.vector_load %arg13[%get3A_76] {strides = array<i32>} : memref<1024xf32, #tpu.memory_space<vmem>>, vector<16xf32>,
      %mul3A_78 = arith.mulf %sub3A_75, %get3A_77 : vector<16xf32>
      %add3A_79 = arith.addf %add3A_72, %mul3A_78 : vector<16xf32>
      %swap3A = arith.index_cast %mul3A_60 : i32 to index
      %swap3A_80 = tpu.vector_load %arg14[%swap3A] {strides = array<i32>} : memref<64xf32, #tpu.memory_space<vmem>>, vector<16xf32>,
      tpu.vector_store %arg14[%swap3A], %add3A_79 {strides = array<i32>} : memref<64xf32, #tpu.memory_space<vmem>>, vector<16xf32>,
      %scan3A_81 = arith.constant 0 : i32
      scf.yield %scan3A_81 : i32
    }
    %scan3A_54 = arith.constant 4 : i32
    "tpu.region"() ({
      %run_scoped3A = tpu.sem_alloc : memref<!tpu.dma_semaphore, #tpu.memory_space<semaphore_mem>>
      %dma_start3A_55 = tpu.memref_slice %arg6[%mul3A_0] : memref<1024xf32, #tpu.memory_space<hbm>> -> memref<64xf32, #tpu.memory_space<hbm>>
      %dma_start3A_56 = tpu.memref_slice %arg6[%mul3A_0] : memref<1024xf32, #tpu.memory_space<hbm>> -> memref<64xf32, #tpu.memory_space<hbm>>
      tpu.enqueue_dma source(%arg14 : memref<64xf32, #tpu.memory_space<vmem>>) target(%dma_start3A_56 : memref<64xf32, #tpu.memory_space<hbm>>) target_semaphore(%run_scoped3A : memref<!tpu.dma_semaphore, #tpu.memory_space<semaphore_mem>>)
      %dma_wait3A_57 = tpu.memref_slice %arg6[%mul3A_0] : memref<1024xf32, #tpu.memory_space<hbm>> -> memref<64xf32, #tpu.memory_space<hbm>>
      %dma_wait3A_58 = tpu.memref_slice %arg6[%mul3A_0] : memref<1024xf32, #tpu.memory_space<hbm>> -> memref<64xf32, #tpu.memory_space<hbm>>
      tpu.wait_dma2 semaphore(%run_scoped3A : memref<!tpu.dma_semaphore, #tpu.memory_space<semaphore_mem>>) src(%arg14 : memref<64xf32, #tpu.memory_space<vmem>>) dst(%dma_wait3A_58 : memref<64xf32, #tpu.memory_space<hbm>>)
      tpu.yield
    }) : () -> ()
    return
  }
}

</mosaic_0001>

<sc_bundles>
// kernel: kernel.3.cloned.1.call-start
scs
__scs_entry_jumppad:
0x0: {  	(pc) =	sbr.rel $0x88, $3  }
0x1: {  	(tag) =	ssettag $0x0;
	lr =	simm.s32 $0x1  }
0x2: {  	[smem:$0x3F9B] =	sst lr;
	_ =	strace $0xD0000000  }
0x3: {  	_ = 	snop  }
0x4: {  	_ = 	snop  }
0x5: {  	_ = 	snop  }
0x6: {  	_ = 	snop  }
0x7: {  	_ = 	snop  }
__scs_overlays_trampoline_lowered:
0x8: {  	[smem:$0x3FAA] =	sst s0  }
0x9: {  	[smem:$0x3FAB] =	sst s1  }
0xa: {  	[smem:$0x3FAC] =	sst s2  }
0xb: {  	[smem:$0x3FAD] =	sst s3  }
0xc: {  	[smem:$0x3FAE] =	sst s4  }
0xd: {  	[smem:$0x3FAF] =	sst s5  }
0xe: {  	[smem:$0x3FB0] =	sst s6  }
0xf: {  	[smem:$0x3FB1] =	sst s7  }
0x10: {  	[smem:$0x3FB2] =	sst s8  }
0x11: {  	[smem:$0x3FB3] =	sst s9;
	s0 =	simm.s32 @!p0 $0x0  }
0x12: {  	s1 =	sld [smem:$0x3F99];
	s0 =	simm.s32 @p0 $0x1  }
0x13: {  	[smem:$0x3FB4] =	sst s0;
	s0 =	simm.s32 @!p1 $0x0  }
0x14: {  	s2 =	sld [smem:$0x3F98];
	s0 =	simm.s32 @p1 $0x1  }
0x15: {  	[smem:$0x3FB5] =	sst s0;
	s0 =	simm.s32 @!p2 $0x0  }
0x16: {  	s3 =	sld [smem:$0x3FDB];
	s0 =	simm.s32 @p2 $0x1  }
0x17: {  	s4 =	simm.s32 $0x1BF5;
	[smem:$0x3FB7] =	sst s0  }
0x18: {  	s0 =	sld [smem:$0x3F9A];
	_ =	swait.ge [sflag:s4], $0x0  }
0x19: {  	s7 =	sld [smem:$0x3F9B]  }
0x1a: {  	s8 =	sadd.s32 $0xFFFFE003, lr  }
0x1b: {  	s9 =	sadd.s32 $0xFFFFFEF7, lr;
	s5 =	simm.s32 $0xFFFFFFFF;
	p2 =	slt.u32 s8, $0xFFFFF086  }
0x1c: {  	p1 =	slt.u32 s9, $0xF7A;
	s5 =	simm.s32 @!p2 $0x0  }
0x1d: {  	s5 =	simm.s32 @p1 $0x1;
	p0 =	seq.s32 s7, s2  }
0x1e: {  	s7 =	smul.u32 @!p0 $0xF7A, s2;
	p2 =	seq.s32 @!p0 s5, $0x0  }
0x1f: {  	s9 =	smul.u32 $0xF7A, s1;
	s8 =	simm.s32 @!p0 $0x1BF5;
	p2 =	por !p2, p0  }
0x20: {  	[sflag:s8] =	ssyncset.s32 @!p0 $0xFFFFF086;
	s6 =	sadd.s32 @!p0 s3, s7;
	s7 =	simm.s32 @!p0 $0x108  }
0x21: {  	s3 =	sadd.s32 s3, s9;
	s6 =	sadd.s32 @!p0 $0x88, s6;
	s7 =	simm.s32 @p2 $0x1082  }
0x22: {  	[simem:s7], [sflag:s8] =	dma.local @!p0 [hbm:s6], $0xF7A  }
0x23: {  	s9 =	sor.u32 $0xD0000000, s2;
	s6 =	simm.s32 $0x108;
	_ =	swait.ge @!p0 [sflag:s8], $0x0  }
0x24: {  	s3 =	sadd.s32 $0x88, s3;
	s6 =	simm.s32 @!p1 $0x1082;
	[sflag:s4] =	ssyncset.s32 $0xFFFFF086  }
0x25: {  	[simem:s6], [sflag:s4] =	dma.local [hbm:s3], $0xF7A  }
0x26: {  	[smem:$0x3F9B] =	sst s1;
	(tag) =	ssettag s2;
	_ =	strace s9  }
0x27: {  	s1 =	sld [smem:$0x3FAB]  }
0x28: {  	s2 =	sld [smem:$0x3FAC]  }
0x29: {  	s4 =	sld [smem:$0x3FAE]  }
0x2a: {  	p0 =	seq.s32 s5, $0x0;
	s5 =	sld [smem:$0x3FAF]  }
0x2b: {  	s6 =	sld [smem:$0x3FB0]  }
0x2c: {  	s7 =	sld [smem:$0x3FB1]  }
0x2d: {  	s3 =	simm.s32 $0x108;
	s8 =	sld [smem:$0x3FB2]  }
0x2e: {  	s3 =	simm.s32 @!p0 $0x1082;
	s9 =	sld [smem:$0x3FB3]  }
0x2f: {  	lr =	sadd.s32 s0, s3;
	s0 =	sld [smem:$0x3FAA]  }
0x30: {  	s3 =	sld [smem:$0x3FAD]  }
0x31: {  	[smem:$0x3FB6] =	sst s10  }
0x32: {  	s10 =	sld [smem:$0x3FB4];
	_ =	sdelay $0x3  }
0x33: {  	p0 =	seq.s32 s10, $0x1;
	s10 =	sld [smem:$0x3FB6];
	_ =	sdelay $0x3  }
0x34: {  	[smem:$0x3FB6] =	sst s10  }
0x35: {  	s10 =	sld [smem:$0x3FB5];
	_ =	sdelay $0x3  }
0x36: {  	p1 =	seq.s32 s10, $0x1;
	s10 =	sld [smem:$0x3FB6];
	_ =	sdelay $0x3  }
0x37: {  	[smem:$0x3FB6] =	sst s10  }
0x38: {  	s10 =	sld [smem:$0x3FB7]  }
0x39: {  	_ = 	snop;
	(pc) =	sbr.ind lr, $3  }
0x3a: {  	_ = 	snop  }
0x3b: {  	_ = 	snop  }
0x3c: {  	p2 =	seq.s32 s10, $0x1;
	s10 =	sld [smem:$0x3FB6]  }
0x3d: {  	_ =	shalt  }
0x3e: {  	_ =	shalt  }
0x3f: {  	_ =	shalt  }
0x40: {  	_ =	shalt  }
0x41: {  	_ =	shalt  }
0x42: {  	_ =	shalt  }
0x43: {  	_ =	shalt  }
0x44: {  	_ =	shalt  }
0x45: {  	_ =	shalt  }
0x46: {  	_ =	shalt  }
0x47: {  	_ =	shalt  }
0x48: {  	_ =	shalt  }
0x49: {  	_ =	shalt  }
0x4a: {  	_ =	shalt  }
0x4b: {  	_ =	shalt  }
0x4c: {  	_ =	shalt  }
0x4d: {  	_ =	shalt  }
0x4e: {  	_ =	shalt  }
0x4f: {  	_ =	shalt  }
0x50: {  	_ =	shalt  }
0x51: {  	_ =	shalt  }
0x52: {  	_ =	shalt  }
0x53: {  	_ =	shalt  }
0x54: {  	_ =	shalt  }
0x55: {  	_ =	shalt  }
0x56: {  	_ =	shalt  }
0x57: {  	_ =	shalt  }
0x58: {  	_ =	shalt  }
0x59: {  	_ =	shalt  }
0x5a: {  	_ =	shalt  }
0x5b: {  	_ =	shalt  }
0x5c: {  	_ =	shalt  }
0x5d: {  	_ =	shalt  }
0x5e: {  	_ =	shalt  }
0x5f: {  	_ =	shalt  }
0x60: {  	_ =	shalt  }
0x61: {  	_ =	shalt  }
0x62: {  	_ =	shalt  }
0x63: {  	_ =	shalt  }
0x64: {  	_ =	shalt  }
0x65: {  	_ =	shalt  }
0x66: {  	_ =	shalt  }
0x67: {  	_ =	shalt  }
0x68: {  	_ =	shalt  }
0x69: {  	_ =	shalt  }
0x6a: {  	_ =	shalt  }
0x6b: {  	_ =	shalt  }
0x6c: {  	_ =	shalt  }
0x6d: {  	_ =	shalt  }
0x6e: {  	_ =	shalt  }
0x6f: {  	_ =	shalt  }
0x70: {  	_ =	shalt  }
0x71: {  	_ =	shalt  }
0x72: {  	_ =	shalt  }
0x73: {  	_ =	shalt  }
0x74: {  	_ =	shalt  }
0x75: {  	_ =	shalt  }
0x76: {  	_ =	shalt  }
0x77: {  	_ =	shalt  }
0x78: {  	_ =	shalt  }
0x79: {  	_ =	shalt  }
0x7a: {  	_ =	shalt  }
0x7b: {  	_ =	shalt  }
0x7c: {  	_ =	shalt  }
0x7d: {  	_ =	shalt  }
0x7e: {  	_ =	shalt  }
0x7f: {  	_ =	shalt  }
0x80: {  	_ =	shalt  }
0x81: {  	_ =	shalt  }
0x82: {  	_ =	shalt  }
0x83: {  	_ =	shalt  }
0x84: {  	_ =	shalt  }
0x85: {  	_ =	shalt  }
0x86: {  	_ =	shalt  }
0x87: {  	_ =	shalt  }
.Lfunc_end0:
.L_simem_size_0:
called_computation_lowered:
.L_overlay_start_0:
0x88: {  	s0 =	sld [smem:$0x3FD9]  }
0x89: {  	s1 =	sld [smem:$0x3FFE];
	_ =	sdelay $0x3  }
0x8a: {  	s0 =	sadd.s32 s1, s0  }
0x8b: {  	[smem:$0x3FC2] =	sst s0  }
0x8c: {  	_ = 	snop  }
0x8d: {  	s0 =	sld [smem:$0x3FC6]  }
0x8e: {  	s16 =	sld [smem:$0x3FC5]  }
0x8f: {  	s2 =	sld [smem:$0x3FC4]  }
0x90: {  	s3 =	sld [smem:$0x3FD0];
	(tm) =	ssettm $0x1  }
0x91: {  	s4 =	sld [smem:$0x3FFB];
	_ =	sdelay $0x3  }
0x92: {  	_ =	strace s4  }
0x93: {  	s4 =	sld [smem:$0x3FFC];
	_ =	sdelay $0x3  }
0x94: {  	_ =	strace s4  }
0x95: {  	s4 =	sld [smem:$0x3FFD];
	_ =	sdelay $0x3  }
0x96: {  	_ =	strace s4  }
0x97: {  	_ =	strace $0x8FFFFFFF  }
0x98: {  	s17 =	sld [smem:$0x3FDB];
	_ =	sdelay $0x1  }
0x99: {  	s5 =	simm.s32 $_scs_section_size  }
0x9a: {  	s6 =	simm.s32 $_size__tile_overlayer_lowered;
	s7 =	simm.s32 $_tile_overlayer_lowered  }
0x9b: {  	s20 =	simm.s32 $0x1BFF;
	s19 =	sshll.u32 s7, $0x1;
	s4 =	sadd.s32 s5, s17  }
0x9c: {  	s8 =	simm.s32 $0x0;
	s18 =	sshll.u32 s6, $0x1;
	s6 =	sadd.s32 s19, s4  }
0x9d: {  	[timem:s8], [sflag:s20] =	dma.local [hbm:s6], s18  }
0x9e: {  	_ =	swait.ge [sflag:s20], s18  }
0x9f: {  	s5 =	ssub.s32 $0x0, s18;
	[sflag:s20] =	ssyncset.done $0x0  }
0xa0: {  	[sflag:s20] =	ssyncadd.s32 s5;
	_ =	sdelay $0x1  }
0xa1: {  	s21 =	simm.s32 $0x1B8B  }
0xa2: {  	_ =	swait.ge [sflag:s21], $0x1  }
0xa3: {  	[sflag:s21] =	ssyncset.done $0x0  }
0xa4: {  	s23 =	simm.s32 $0x1B8E;
	s22 =	sld [smem:$0x3FFE];
	[sflag:s21] =	ssyncadd.s32 $0xFFFFFFFF  }
0xa5: {  	s24 =	simm.s32 $execute0_lowered;
	[smem:$0x3FD2] =	sst s23  }
0xa6: {  	s6 =	sshll.u32 s24, $0x1;
	_ =	strace $0x80000046;
	[dreg:$0x1] =	wrdreg $0xFFFFFFFF  }
0xa7: {  	s25 =	simm.s32 $_size_execute0_lowered;
	s4 =	sadd.s32 s4, s6;
	[dreg:$0x0] =	wrdreg $0x0  }
0xa8: {  	s6 =	sshll.u32 s25, $0x1;
	[dreg:$0x2] =	wrdreg s4  }
0xa9: {  	[dreg:$0x3] =	wrdreg s6  }
0xaa: {  	[dreg:$0x4] =	wrdreg $0xC0  }
0xab: {  	_ =	task [dreg:s8], $0x5FFFF  }
0xac: {  	[dreg:$0x1] =	wrdreg $0xFFFFFFFF  }
0xad: {  	[dreg:$0x0] =	wrdreg $0x60  }
0xae: {  	[dreg:$0x2] =	wrdreg s22  }
0xaf: {  	[dreg:$0x3] =	wrdreg s0  }
0xb0: {  	[dreg:$0x4] =	wrdreg s16  }
0xb1: {  	[dreg:$0x5] =	wrdreg s2  }
0xb2: {  	[dreg:$0x6] =	wrdreg s3  }
0xb3: {  	[dreg:$0x7] =	wrdreg $0x9  }
0xb4: {  	_ =	task.clear_ibuf [dreg:s8], $0x8FFFF;
	_ =	strace $0x90000046  }
0xb5: {  	s26 =	simm.s32 $0x9;
	_ =	strace $0x80000048  }
0xb6: {  	_ =	swait.ge [sflag:s26], $0x1  }
0xb7: {  	[sflag:s26] =	ssyncadd.s32 $0xFFFFFFFF  }
0xb8: {  	_ =	strace $0x90000048  }
0xb9: {  	_ =	sfence  }
0xba: {  	s28 =	sld [smem:$0x0];
	_ =	sdelay $0x1  }
0xbb: {  	s29 =	srdreg.scid  }
0xbc: {  	s30 =	sshll.u32 s29, $0xD;
	s31 =	sshrl.u32 s29, $0x2  }
0xbd: {  	s1 =	sand.u32 $0x1, s29;
	s2 =	sand.u32 $0x4000, s30;
	s0 =	sadd.s32 s31, s28  }
0xbe: {  	s1 =	sor.u32 s2, s1;
	s0 =	sshll.u32 s0, $0x11  }
0xbf: {  	s0 =	sor.u32 s0, s1  }
0xc0: {  	s0 =	sadd.s32 $0x8F2B, s0  }
0xc1: {  	[sflag:s0] =	ssyncadd.remote.s32 $0x1  }
0xc2: {  	_ =	sfence.sel $0xFFFF  }
0xc3: {  	[dreg:$0x0] =	wrdreg $0xFFFFFFFF;
	(pc) =	sbr.abs _section_cstart, $3  }
0xc4: {  	[dreg:$0x1] =	wrdreg $0xFFFFFFFF  }
0xc5: {  	_ =	task.clear_ibuf [dreg:s8], $0x2FFFF;
	_ =	strace $0x9FFFFFFF  }
0xc6: {  	(tm) =	ssettm $0x7FFFFFFF  }
0xc7: {  	_ =	shalt  }
tec
execute0_lowered:
.L_overlay_start_1:
0x0: {  	(tag) =	ssettag $0x1  }
0x1: {  	s3 =	rddreg [dreg:$0x0]  }
0x2: {  	s4 =	rddreg [dreg:$0x1]  }
0x3: {  	s5 =	rddreg [dreg:$0x2]  }
0x4: {  	s6 =	rddreg [dreg:$0x3]  }
0x5: {  	s2 =	rddreg [dreg:$0x4]  }
0x6: {  	s0 =	rddreg [dreg:$0x5];
	s8 =	simm.s32 $0x0  }
0x7: {  	s1 =	stileid.u32;
	[smem:$0x7FF] =	sst s8  }
0x8: {  	s7 =	sadd.s32 $0xA00, s3;
	s3 =	sshll.u32 s1, $0x3;
	_ =	strace $0x80000047  }
0x9: {  	[tilespmem:s8], [sflag:$0x1] =	stream.linear.gather [hbm4b:s7+s8], $0x280, $0x38;
	[tilespmem:$0x1080] =	vst v63  }
0xa: {  	s25 =	simm.s32 $0x280;
	s4 =	sadd.s32 s4, s3  }
0xb: {  	[tilespmem:s25], [sflag:$0x2] =	stream.linear.gather [hbm4b:s4+s8], $0x40, $0x38;
	[tilespmem:$0x1080] =	vst v63  }
0xc: {  	s28 =	simm.s32 $0x300;
	s26 =	sadd.s32 s5, s3  }
0xd: {  	[tilespmem:s28], [sflag:$0x2] =	stream.linear.gather [hbm4b:s26+s8], $0x40, $0x38;
	[tilespmem:$0x1080] =	vst v63  }
0xe: {  	s30 =	simm.s32 $0x380;
	s5 =	sshll.u32 s1, $0x6;
	s29 =	sadd.s32 s6, s3  }
0xf: {  	v2 =	vimm.f32 $0.0e+00;
	[tilespmem:s30], [sflag:$0x2] =	stream.linear.gather [hbm4b:s29+s8], $0x40, $0x38;
	[tilespmem:$0x1080] =	vst v63  }
0x10: {  	[tilespmem:s5+$0x400] =	vst v2  }
0x11: {  	[tilespmem:s5+$0x800] =	vst v2  }
0x12: {  	[tilespmem:s5+$0xC00] =	vst v2  }
0x13: {  	[tilespmem:s5+$0x410] =	vst v2  }
0x14: {  	[tilespmem:s5+$0x810] =	vst v2  }
0x15: {  	[tilespmem:s5+$0xC10] =	vst v2  }
0x16: {  	v0 =	vlaneseq.u32;
	[tilespmem:s5+$0x420] =	vst v2  }
0x17: {  	v0 =	vmul.u32 $0x2, v0;
	[tilespmem:s5+$0x820] =	vst v2  }
0x18: {  	[tilespmem:s5+$0xC20] =	vst v2  }
0x19: {  	v1 =	vor.u32 $0x1, v0;
	[tilespmem:s5+$0x430] =	vst v2  }
0x1a: {  	v3 =	vor.u32 s8, v1;
	[tilespmem:s5+$0x830] =	vst v2  }
0x1b: {  	s31 =	simm.s32 $0x1;
	[tilespmem:s5+$0xC30] =	vst v2;
	v2 =	vor.u32 s8, v0  }
0x1c: {  	_ =	swait.ge [sflag:s31], $0x280  }
0x1d: {  	[sflag:s31] =	ssyncset.done $0x0  }
0x1e: {  	[sflag:s31] =	ssyncadd.s32 $0xFFFFFD80  }
0x1f: {  	v3 =	vld.idx.msk [tilespmem:v3+s8+$0x0], $0xffff  }
0x20: {  	v2 =	vld.idx.msk [tilespmem:v2+s8+$0x0], $0xffff;
	_ =	sdelay $0x3  }
0x21: {  	v3 =	vshra.s32 v3, $0x4  }
0x22: {  	vm0 =	vlt.s32 v3, $0x1F;
	v2 =	vshra.s32 v2, $0x4  }
0x23: {  	v3 =	vnsel vm0, $0x1F, v3;
	vm15 =	vlt.s32 v2, $0x1F  }
0x24: {  	v4 =	vnsel vm15, $0x1F, v2;
	v3 =	vshll.u32 v3, $0x5  }
0x25: {  	s10 =	simm.s32 $0x20;
	s9 =	simm.s32 $0x400;
	s11 =	simm.s32 $0x40;
	v3 =	vor.u32 v4, v3  }
0x26: {  	s7 =	sor.u32 $0x10, s5;
	s6 =	sor.u32 $0x20, s5;
	s4 =	sor.u32 $0x30, s5;
	v2 =	vimm.f32 $1.000000000e+00;
	v4 =	vor.u32 s10, v1  }
.LBB2_1:
0x27: {  	p0 =	sne.s32 s11, $0xE0;
	v5 =	vor.u32 s10, v0;
	s10 =	smov.u32 s11;
	_ =	sdelay $0x2  }
0x28: {  	[tilespmem:v3+s9+$0x0] =	vst.idx.msk $0xffff, v2  }
0x29: {  	v3 =	vld.idx.msk [tilespmem:v4+s8+$0x0], $0xffff  }
0x2a: {  	v4 =	vld.idx.msk [tilespmem:v5+s8+$0x0], $0xffff;
	_ =	sdelay $0x4  }
0x2b: {  	v3 =	vshra.s32 v3, $0x4  }
.Ltmp0:
0x2c: {  	vm0 =	vlt.s32 v3, $0x1F;
	v4 =	vshra.s32 v4, $0x4;
	(pc) =	sbr.rel @p0 .LBB2_1-.Ltmp0, $4  }
0x2d: {  	v3 =	vnsel vm0, $0x1F, v3;
	vm0 =	vlt.s32 v4, $0x1F  }
0x2e: {  	v4 =	vnsel vm0, $0x1F, v4;
	v3 =	vshll.u32 v3, $0x5  }
0x2f: {  	v3 =	vor.u32 v4, v3  }
0x30: {  	s11 =	sadd.s32 $0x20, s11;
	v4 =	vor.u32 s10, v1  }
0x31: {  	_ = 	snop  }
0x32: {  	v0 =	vor.u32 s10, v0;
	_ =	sdelay $0x2  }
0x33: {  	[tilespmem:v3+s9+$0x0] =	vst.idx.msk $0xffff, v2  }
0x34: {  	v1 =	vld.idx.msk [tilespmem:v4+s8+$0x0], $0xffff  }
0x35: {  	v0 =	vld.idx.msk [tilespmem:v0+s8+$0x0], $0xffff;
	_ =	sdelay $0x3  }
0x36: {  	v1 =	vshra.s32 v1, $0x4  }
0x37: {  	vm0 =	vlt.s32 v1, $0x1F;
	v0 =	vshra.s32 v0, $0x4  }
0x38: {  	v3 =	vlaneseq.u32;
	v1 =	vnsel vm0, $0x1F, v1;
	vm5 =	vlt.s32 v0, $0x1F  }
0x39: {  	v1 =	vshll.u32 v1, $0x5;
	v4 =	vnsel vm5, $0x1F, v0;
	v0 =	vmul.u32 $0x2, v3  }
0x3a: {  	v1 =	vor.u32 v4, v1  }
0x3b: {  	v3 =	vor.u32 $0x101, v0  }
0x3c: {  	v4 =	vor.u32 $0x100, v0;
	_ =	sdelay $0x2  }
0x3d: {  	s8 =	simm.s32 $0x0;
	[tilespmem:v1+s9+$0x0] =	vst.idx.msk $0xffff, v2  }
0x3e: {  	v1 =	vld.idx.msk [tilespmem:v3+s8+$0x0], $0xffff  }
0x3f: {  	v2 =	vld.idx.msk [tilespmem:v4+s8+$0x0], $0xffff;
	_ =	sdelay $0x3  }
0x40: {  	v1 =	vshra.s32 v1, $0x4  }
0x41: {  	v2 =	vshra.s32 v2, $0x4;
	vm6 =	vlt.s32 v1, $0x1F  }
0x42: {  	vm7 =	vlt.s32 v2, $0x1F;
	v1 =	vnsel vm6, $0x1F, v1  }
0x43: {  	v2 =	vnsel vm7, $0x1F, v2;
	v1 =	vshll.u32 v1, $0x5  }
0x44: {  	v2 =	vor.u32 v2, v1  }
0x45: {  	v3 =	vor.u32 $0x121, v0  }
0x46: {  	v4 =	vor.u32 $0x120, v0;
	_ =	sdelay $0x1  }
0x47: {  	s30 =	simm.s32 $0x800;
	v1 =	vimm.f32 $1.000000000e+00  }
0x48: {  	[tilespmem:v2+s30+$0x0] =	vst.idx.msk $0xffff, v1  }
0x49: {  	v2 =	vld.idx.msk [tilespmem:v3+s8+$0x0], $0xffff  }
0x4a: {  	v3 =	vld.idx.msk [tilespmem:v4+s8+$0x0], $0xffff;
	_ =	sdelay $0x3  }
0x4b: {  	v2 =	vshra.s32 v2, $0x4  }
0x4c: {  	v3 =	vshra.s32 v3, $0x4;
	vm8 =	vlt.s32 v2, $0x1F  }
0x4d: {  	vm9 =	vlt.s32 v3, $0x1F;
	v2 =	vnsel vm8, $0x1F, v2  }
0x4e: {  	v3 =	vnsel vm9, $0x1F, v3;
	v2 =	vshll.u32 v2, $0x5  }
0x4f: {  	v2 =	vor.u32 v3, v2  }
0x50: {  	v3 =	vor.u32 $0x141, v0  }
0x51: {  	v4 =	vor.u32 $0x140, v0;
	_ =	sdelay $0x2  }
0x52: {  	[tilespmem:v2+s30+$0x0] =	vst.idx.msk $0xffff, v1  }
0x53: {  	v2 =	vld.idx.msk [tilespmem:v3+s8+$0x0], $0xffff  }
0x54: {  	v3 =	vld.idx.msk [tilespmem:v4+s8+$0x0], $0xffff;
	_ =	sdelay $0x3  }
0x55: {  	v2 =	vshra.s32 v2, $0x4  }
0x56: {  	v3 =	vshra.s32 v3, $0x4;
	vm10 =	vlt.s32 v2, $0x1F  }
0x57: {  	vm11 =	vlt.s32 v3, $0x1F;
	v2 =	vnsel vm10, $0x1F, v2  }
0x58: {  	v3 =	vnsel vm11, $0x1F, v3;
	v2 =	vshll.u32 v2, $0x5  }
0x59: {  	v2 =	vor.u32 v3, v2  }
0x5a: {  	v3 =	vor.u32 $0x161, v0  }
0x5b: {  	v4 =	vor.u32 $0x160, v0;
	_ =	sdelay $0x2  }
0x5c: {  	[tilespmem:v2+s30+$0x0] =	vst.idx.msk $0xffff, v1  }
0x5d: {  	v2 =	vld.idx.msk [tilespmem:v3+s8+$0x0], $0xffff  }
0x5e: {  	v3 =	vld.idx.msk [tilespmem:v4+s8+$0x0], $0xffff;
	_ =	sdelay $0x3  }
0x5f: {  	v2 =	vshra.s32 v2, $0x4  }
0x60: {  	v3 =	vshra.s32 v3, $0x4;
	vm12 =	vlt.s32 v2, $0x1F  }
0x61: {  	vm13 =	vlt.s32 v3, $0x1F;
	v2 =	vnsel vm12, $0x1F, v2  }
0x62: {  	v3 =	vnsel vm13, $0x1F, v3;
	v2 =	vshll.u32 v2, $0x5  }
0x63: {  	s31 =	simm.s32 $0x180;
	v3 =	vor.u32 v3, v2;
	v2 =	vor.u32 $0x1, v0  }
0x64: {  	v4 =	vor.u32 s31, v2  }
0x65: {  	v5 =	vor.u32 s31, v0;
	_ =	sdelay $0x2  }
0x66: {  	[tilespmem:v3+s30+$0x0] =	vst.idx.msk $0xffff, v1  }
0x67: {  	v3 =	vld.idx.msk [tilespmem:v4+s8+$0x0], $0xffff  }
0x68: {  	v4 =	vld.idx.msk [tilespmem:v5+s8+$0x0], $0xffff;
	_ =	sdelay $0x3  }
0x69: {  	v3 =	vshra.s32 v3, $0x4  }
0x6a: {  	v4 =	vshra.s32 v4, $0x4;
	vm14 =	vlt.s32 v3, $0x1F  }
0x6b: {  	vm15 =	vlt.s32 v4, $0x1F;
	v3 =	vnsel vm14, $0x1F, v3  }
0x6c: {  	v4 =	vnsel vm15, $0x1F, v4;
	v3 =	vshll.u32 v3, $0x5  }
0x6d: {  	s10 =	simm.s32 $0x1A0;
	v3 =	vor.u32 v4, v3  }
0x6e: {  	s11 =	simm.s32 $0x1C0;
	s9 =	simm.s32 $0xC00;
	v4 =	vor.u32 s10, v2  }
.LBB2_3:
0x6f: {  	p0 =	sne.s32 s11, $0x260;
	v5 =	vor.u32 s10, v0;
	s10 =	smov.u32 s11;
	_ =	sdelay $0x2  }
0x70: {  	[tilespmem:v3+s9+$0x0] =	vst.idx.msk $0xffff, v1  }
0x71: {  	v3 =	vld.idx.msk [tilespmem:v4+s8+$0x0], $0xffff  }
0x72: {  	v4 =	vld.idx.msk [tilespmem:v5+s8+$0x0], $0xffff;
	_ =	sdelay $0x4  }
0x73: {  	v3 =	vshra.s32 v3, $0x4  }
.Ltmp1:
0x74: {  	vm0 =	vlt.s32 v3, $0x1F;
	v4 =	vshra.s32 v4, $0x4;
	(pc) =	sbr.rel @p0 .LBB2_3-.Ltmp1, $4  }
0x75: {  	v3 =	vnsel vm0, $0x1F, v3;
	vm0 =	vlt.s32 v4, $0x1F  }
0x76: {  	v4 =	vnsel vm0, $0x1F, v4;
	v3 =	vshll.u32 v3, $0x5  }
0x77: {  	v3 =	vor.u32 v4, v3  }
0x78: {  	s11 =	sadd.s32 $0x20, s11;
	v4 =	vor.u32 s10, v2  }
0x79: {  	_ = 	snop  }
0x7a: {  	v0 =	vor.u32 s10, v0;
	_ =	sdelay $0x2  }
0x7b: {  	[tilespmem:v3+s9+$0x0] =	vst.idx.msk $0xffff, v1  }
0x7c: {  	v2 =	vld.idx.msk [tilespmem:v4+s8+$0x0], $0xffff  }
0x7d: {  	v0 =	vld.idx.msk [tilespmem:v0+s8+$0x0], $0xffff;
	_ =	sdelay $0x3  }
0x7e: {  	v2 =	vshra.s32 v2, $0x4  }
0x7f: {  	vm0 =	vlt.s32 v2, $0x1F;
	v0 =	vshra.s32 v0, $0x4  }
0x80: {  	v2 =	vnsel vm0, $0x1F, v2;
	vm15 =	vlt.s32 v0, $0x1F  }
0x81: {  	v2 =	vshll.u32 v2, $0x5;
	v0 =	vnsel vm15, $0x1F, v0  }
0x82: {  	v0 =	vor.u32 v0, v2;
	_ =	sdelay $0x4  }
0x83: {  	s28 =	simm.s32 $0x2;
	[tilespmem:v0+s9+$0x0] =	vst.idx.msk $0xffff, v1  }
0x84: {  	_ =	swait.ge [sflag:s28], $0x40  }
0x85: {  	[sflag:s28] =	ssyncset.done $0x0  }
0x86: {  	[sflag:s28] =	ssyncadd.s32 $0xFFFFFFC0  }
0x87: {  	_ =	swait.ge [sflag:s28], $0x40  }
0x88: {  	[sflag:s28] =	ssyncset.done $0x0  }
0x89: {  	[sflag:s28] =	ssyncadd.s32 $0xFFFFFFC0  }
0x8a: {  	_ =	swait.ge [sflag:s28], $0x40  }
0x8b: {  	[sflag:s28] =	ssyncset.done $0x0  }
0x8c: {  	[sflag:s28] =	ssyncadd.s32 $0xFFFFFFC0  }
0x8d: {  	v29 =	vld [tilespmem:$0x280]  }
0x8e: {  	v30 =	vld [tilespmem:s5+$0x400]  }
0x8f: {  	v31 =	vld [tilespmem:$0x300]  }
0x90: {  	v32 =	vld [tilespmem:s5+$0x800]  }
0x91: {  	v33 =	vld [tilespmem:$0x380]  }
0x92: {  	v0 =	vadd.f32 $-1.000000000e+00, v29  }
0x93: {  	v5 =	vld [tilespmem:s5+$0xC00]  }
0x94: {  	v34 =	vadd.f32 $-1.000000000e+00, v31;
	v0 =	vmul.f32 v30, v0;
	_ =	sdelay $0x1  }
0x95: {  	v35 =	vadd.f32 $-1.000000000e+00, v33;
	v1 =	vmul.f32 v32, v34;
	v0 =	vadd.f32 $1.000000000e+00, v0;
	_ =	sdelay $0x1  }
0x96: {  	v36 =	vmul.f32 v5, v35;
	v0 =	vadd.f32 v1, v0;
	_ =	sdelay $0x1  }
0x97: {  	v0 =	vadd.f32 v36, v0  }
0x98: {  	v37 =	vld [tilespmem:$0x290]  }
0x99: {  	v39 =	vld [tilespmem:$0x310];
	[tilespmem:$0x1000] =	vst v0  }
0x9a: {  	v38 =	vld [tilespmem:s7+$0x400]  }
0x9b: {  	v41 =	vld [tilespmem:$0x390]  }
0x9c: {  	v40 =	vld [tilespmem:s7+$0x800]  }
0x9d: {  	v0 =	vadd.f32 $-1.000000000e+00, v37  }
0x9e: {  	v42 =	vld [tilespmem:s7+$0xC00]  }
0x9f: {  	v43 =	vadd.f32 $-1.000000000e+00, v39;
	v0 =	vmul.f32 v38, v0;
	_ =	sdelay $0x1  }
0xa0: {  	v44 =	vadd.f32 $-1.000000000e+00, v41;
	v1 =	vmul.f32 v40, v43;
	v0 =	vadd.f32 $1.000000000e+00, v0;
	_ =	sdelay $0x1  }
0xa1: {  	v45 =	vmul.f32 v42, v44;
	v0 =	vadd.f32 v1, v0;
	_ =	sdelay $0x1  }
0xa2: {  	v0 =	vadd.f32 v45, v0  }
0xa3: {  	v46 =	vld [tilespmem:$0x2A0]  }
0xa4: {  	v48 =	vld [tilespmem:$0x320];
	[tilespmem:$0x1010] =	vst v0  }
0xa5: {  	v47 =	vld [tilespmem:s6+$0x400]  }
0xa6: {  	v50 =	vld [tilespmem:$0x3A0]  }
0xa7: {  	v49 =	vld [tilespmem:s6+$0x800]  }
0xa8: {  	v0 =	vadd.f32 $-1.000000000e+00, v46  }
0xa9: {  	v51 =	vld [tilespmem:s6+$0xC00]  }
0xaa: {  	v52 =	vadd.f32 $-1.000000000e+00, v48;
	v0 =	vmul.f32 v47, v0;
	_ =	sdelay $0x1  }
0xab: {  	v53 =	vadd.f32 $-1.000000000e+00, v50;
	v1 =	vmul.f32 v49, v52;
	v0 =	vadd.f32 $1.000000000e+00, v0;
	_ =	sdelay $0x1  }
0xac: {  	v54 =	vmul.f32 v51, v53;
	v0 =	vadd.f32 v1, v0;
	_ =	sdelay $0x1  }
0xad: {  	v0 =	vadd.f32 v54, v0  }
0xae: {  	v55 =	vld [tilespmem:$0x2B0]  }
0xaf: {  	v57 =	vld [tilespmem:$0x330];
	[tilespmem:$0x1020] =	vst v0  }
0xb0: {  	v56 =	vld [tilespmem:s4+$0x400]  }
0xb1: {  	v59 =	vld [tilespmem:$0x3B0]  }
0xb2: {  	v58 =	vld [tilespmem:s4+$0x800]  }
0xb3: {  	v0 =	vadd.f32 $-1.000000000e+00, v55  }
0xb4: {  	v60 =	vld [tilespmem:s4+$0xC00]  }
0xb5: {  	v61 =	vadd.f32 $-1.000000000e+00, v57;
	v0 =	vmul.f32 v56, v0;
	_ =	sdelay $0x1  }
0xb6: {  	v62 =	vadd.f32 $-1.000000000e+00, v59;
	v1 =	vmul.f32 v58, v61;
	v0 =	vadd.f32 $1.000000000e+00, v0;
	_ =	sdelay $0x1  }
0xb7: {  	v63 =	vmul.f32 v60, v62;
	v0 =	vadd.f32 v1, v0;
	_ =	sdelay $0x1  }
0xb8: {  	v0 =	vadd.f32 v63, v0  }
0xb9: {  	s2 =	sadd.s32 s2, s3  }
0xba: {  	s29 =	simm.s32 $0x0;
	s30 =	simm.s32 $0x1000;
	s31 =	simm.s32 $0x3;
	[tilespmem:$0x1030] =	vst v0  }
0xbb: {  	[hbm4b:s2+s29] =	stream.linear.scatter [tilespmem:s30], [sflag:$0x3], $0x40, $0x38;
	[tilespmem:$0x1080] =	vst v63  }
0xbc: {  	_ =	swait.ge [sflag:s31], $0x40  }
0xbd: {  	[sflag:s31] =	ssyncset.done $0x0  }
0xbe: {  	[sflag:s31] =	ssyncadd.s32 $0xFFFFFFC0  }
0xbf: {  	_ =	sfence.sel $0x180000  }
0xc0: {  	[bflag:$0x0] =	sbarrier.arrive $0xFFFF  }
0xc1: {  	p0 =	sne.s32 s1, $0x0;
	_ =	strace $0x90000047  }
0xc2: {  	s0 =	sadd.s32 @!p0 $0x100000, s0;
	[bflag:$0x2] =	sbarrier.arrive $0xFFFF  }
0xc3: {  	[sflag:s0] =	ssyncadd.tile.s32 @!p0 $0x1;
	_ =	shalt  }
.Lfunc_end2:
_tile_overlayer_lowered:
.L_overlay_start_2:
0xc4: {  	(tag) =	ssettag $0x2  }
0xc5: {  	s0 =	rddreg [dreg:$0x0];
	s2 =	stileid.u32  }
0xc6: {  	s1 =	rddreg [dreg:$0x1];
	p0 =	sne.s32 s2, $0x0  }
0xc7: {  	s3 =	rddreg [dreg:$0x2];
	[bflag:$0x3] =	sbarrier.arrive $0xFFFF;
	s2 =	simm.s32 @!p0 $0x1C03  }
0xc8: {  	[timem:s3], [sflag:s2] =	dma.local @!p0 [hbm:s0], s1  }
0xc9: {  	s0 =	simm.s32 @!p0 $0x3  }
0xca: {  	_ =	swait.ge @!p0 [sflag:s0], s1  }
0xcb: {  	s1 =	ssub.s32 @!p0 $0x0, s1;
	[sflag:s0] =	ssyncset.done @!p0 $0x0  }
0xcc: {  	[sflag:s0] =	ssyncadd.s32 @!p0 s1  }
0xcd: {  	[bflag:$0x3] =	sbarrier.arrive $0xFFFF  }
0xce: {  	_ =	shalt  }

</sc_bundles>
